<compile_context>
chip_gen: v7x
topology: tpu7x:2x2x1
jax: 0.10.2.dev20260603
libtpu: 0.0.44.dev20260713+nightly
codegen_flags: <defaults>
</compile_context>

<pallas_src>
import functools

import jax
import jax.numpy as jnp
from jax import lax
from jax.experimental import pallas as pl
from jax.experimental.pallas import tpu as pltpu
from jax.experimental.pallas import tpu_sc as plsc

N_NODES = 10000
D = 256
DH = 128
N_EDGES = 160000

NC = 2
NS = 16
CHUNK = 128
NCHUNK = 79
E_PAD = NS * NCHUNK * CHUNK
R_ACC = 10112
ROWS_PER_TILE = R_ACC // NS


def _ln_relu_body(x_ref, w_ref, b_ref, out_ref):
    x = x_ref[...]
    mu = jnp.mean(x, axis=1, keepdims=True)
    xc = x - mu
    var = jnp.mean(xc * xc, axis=1, keepdims=True)
    xn = xc * lax.rsqrt(var + 1e-5)
    xn = xn * w_ref[...] + b_ref[...]
    xn = jnp.maximum(xn, 0.0)
    out_ref[0] = xn[:, :DH]
    out_ref[1] = xn[:, DH:]


def _ln_relu(x, ln_weight, ln_bias):
    blk = 1000
    grid = N_NODES // blk
    return pl.pallas_call(
        _ln_relu_body,
        grid=(grid,),
        in_specs=[
            pl.BlockSpec((blk, D), lambda i: (i, 0)),
            pl.BlockSpec((1, D), lambda i: (0, 0)),
            pl.BlockSpec((1, D), lambda i: (0, 0)),
        ],
        out_specs=pl.BlockSpec((NC, blk, DH), lambda i: (0, i, 0)),
        out_shape=jax.ShapeDtypeStruct((NC, N_NODES, DH), jnp.float32),
    )(x, ln_weight.reshape(1, D), ln_bias.reshape(1, D))


def _agg_body(xh, src3, dst3, zeros_hbm, out, src_v, dst_v, rows_v, acc, sem):
    c = lax.axis_index("c")
    s = lax.axis_index("s")

    pltpu.sync_copy(src3.at[c, s], src_v)
    pltpu.sync_copy(dst3.at[s], dst_v)

    pltpu.sync_copy(zeros_hbm,
                    acc.at[pl.ds(s * ROWS_PER_TILE, ROWS_PER_TILE)])
    plsc.subcore_barrier()

    def chunk(j, carry):
        pltpu.async_copy(xh.at[src_v.at[j]], rows_v, sem).wait()
        pltpu.sync_copy(rows_v, acc.at[dst_v.at[j]], add=True)
        return carry

    lax.fori_loop(0, NCHUNK, chunk, 0)
    plsc.subcore_barrier()

    pltpu.sync_copy(acc.at[pl.ds(s * ROWS_PER_TILE, ROWS_PER_TILE)],
                    out.at[c, pl.ds(s * ROWS_PER_TILE, ROWS_PER_TILE)])


def _aggregate(xh2, src3, dst3, zeros):
    mesh = plsc.VectorSubcoreMesh(core_axis_name="c", subcore_axis_name="s")
    k = functools.partial(
        pl.kernel,
        mesh=mesh,
        out_type=jax.ShapeDtypeStruct((NC, R_ACC, DH), jnp.float32),
        scratch_types=[
            pltpu.VMEM((NCHUNK, CHUNK), jnp.int32),
            pltpu.VMEM((NCHUNK, CHUNK), jnp.int32),
            pltpu.VMEM((CHUNK, DH), jnp.float32),
            pltpu.VMEM_SHARED((R_ACC, DH), jnp.float32),
            pltpu.SemaphoreType.DMA,
        ],
    )(_agg_body)
    return k(xh2, src3, dst3, zeros)


def _mm_body(agg_ref, w_ref, b_ref, out_ref):
    a0 = agg_ref[0]
    a1 = agg_ref[1]
    w = w_ref[...]
    dn = (((1,), (1,)), ((), ()))
    out = lax.dot_general(a0, w[:, :DH], dn, preferred_element_type=jnp.float32)
    out += lax.dot_general(a1, w[:, DH:], dn, preferred_element_type=jnp.float32)
    out_ref[...] = out + b_ref[...]


def _matmul_bias(agg, lin_weight, conv_bias):
    blk = 1000
    grid = N_NODES // blk
    return pl.pallas_call(
        _mm_body,
        grid=(grid,),
        in_specs=[
            pl.BlockSpec((NC, blk, DH), lambda i: (0, i, 0)),
            pl.BlockSpec((D, D), lambda i: (0, 0)),
            pl.BlockSpec((1, D), lambda i: (0, 0)),
        ],
        out_specs=pl.BlockSpec((blk, D), lambda i: (i, 0)),
        out_shape=jax.ShapeDtypeStruct((N_NODES, D), jnp.float32),
    )(agg, lin_weight, conv_bias.reshape(1, D))


def kernel(x, edge_index, ln_weight, ln_bias, lin_weight, conv_bias):
    ei = edge_index.astype(jnp.int32)
    src = ei[0]
    dst = ei[1]
    pad = E_PAD - N_EDGES
    src_p = jnp.concatenate([src, jnp.zeros((pad,), jnp.int32)])
    dst_p = jnp.concatenate([dst, jnp.full((pad,), N_NODES, jnp.int32)])
    src3 = jnp.stack([src_p, src_p + N_NODES]).reshape(NC, NS, NCHUNK, CHUNK)
    dst3 = dst_p.reshape(NS, NCHUNK, CHUNK)
    zeros = jnp.zeros((ROWS_PER_TILE, DH), jnp.float32)

    xh = _ln_relu(x, ln_weight, ln_bias)
    xh2 = xh.reshape(NC * N_NODES, DH)
    agg = _aggregate(xh2, src3, dst3, zeros)
    return _matmul_bias(agg, lin_weight, conv_bias)

# --- scband reference (transcript-rebuilt; emitter-appended) ---
"""Pipeline reference for scband-gnnblock-56126632624667 (READ-ONLY COPY).

The authoritative reference and input builder live on the scoring server;
editing this copy changes nothing except your own understanding.
"""

import jax, jax.numpy as jnp
import numpy as np

N_NODES = 10000
N_EDGES = 160000
D = 256

def setup_inputs(seed: int = 0) -> dict:
    key = jax.random.key(seed)
    k1, k2, k3, k4 = jax.random.split(key, 4)
    x = jax.random.normal(k1, (N_NODES, D), dtype=jnp.float32)
    edge_index = jax.random.randint(k2, (2, N_EDGES), 0, N_NODES, dtype=jnp.int64)
    # LayerNorm params (elementwise_affine=True)
    ln_weight = jnp.ones((D,), dtype=jnp.float32)
    ln_bias = jnp.zeros((D,), dtype=jnp.float32)
    # GCNConv lin weight (Linear(in, out, bias=False) in PyG; stored [out, in])
    bound = 1.0 / np.sqrt(D)
    lin_weight = jax.random.uniform(k3, (D, D), minval=-bound, maxval=bound, dtype=jnp.float32)
    conv_bias = jnp.zeros((D,), dtype=jnp.float32)
    return {"x": x, "edge_index": edge_index, "ln_weight": ln_weight, "ln_bias": ln_bias, "lin_weight": lin_weight, "conv_bias": conv_bias}

def reference(x, edge_index, ln_weight, ln_bias, lin_weight, conv_bias):
    # LayerNorm over last dim, eps=1e-5 (torch default)
    mu = jnp.mean(x, axis=-1, keepdims=True)
    var = jnp.mean((x - mu) ** 2, axis=-1, keepdims=True)
    xn = (x - mu) / jnp.sqrt(var + 1e-5)
    xn = xn * ln_weight + ln_bias
    # ReLU
    xn = jax.nn.relu(xn)
    # GCNConv(normalize=False -> add_self_loops=False): linear transform then sum-aggregate messages from src to dst
    h = xn @ lin_weight.T
    src = edge_index[0]
    dst = edge_index[1]
    msgs = jnp.take(h, src, axis=0)
    out = jnp.zeros((x.shape[0], h.shape[1]), dtype=h.dtype).at[dst].add(msgs)
    out = out + conv_bias
    return out

if __name__ == "__main__":
    import jax
    _d = setup_inputs()
    print(jax.jit(kernel)(*tuple(_d.values())))

</pallas_src>

<mosaic_0001>
#map = affine_map<(d0, d1) -> (0, 0)>
#map1 = affine_map<(d0, d1) -> (0, 0, 0, 0)>
#map2 = affine_map<(d0, d1) -> (0, 0, 0)>
module attributes {stable_mosaic.version = 14 : i64} {
  func.func @_agg_body(%arg0: i32, %arg1: i32, %arg2: memref<20000x128xf32, #tpu.memory_space<hbm>>, %arg3: memref<2x16x79x128xi32, #tpu.memory_space<hbm>>, %arg4: memref<16x79x128xi32, #tpu.memory_space<hbm>>, %arg5: memref<632x128xf32, #tpu.memory_space<hbm>>, %arg6: memref<2x10112x128xf32, #tpu.memory_space<hbm>>, %arg7: memref<79x128xi32, #tpu.memory_space<vmem>>, %arg8: memref<79x128xi32, #tpu.memory_space<vmem>>, %arg9: memref<128x128xf32, #tpu.memory_space<vmem>>, %arg10: memref<10112x128xf32, #tpu.memory_space<vmem_shared>>, %arg11: memref<!tpu.dma_semaphore, #tpu.memory_space<semaphore_mem>>) attributes {dimension_semantics = [#tpu.dimension_semantics<core_parallel>, #tpu.dimension_semantics<subcore_parallel>], iteration_bounds = array<i64: 2, 16>, scalar_prefetch = 0 : i64, scratch_operands = 5 : i64, tpu.core_type = #tpu.core_type<sc_vector_subcore>, window_params = [{transform_indices = #map}, {transform_indices = #map1}, {transform_indices = #map2}, {transform_indices = #map}, {transform_indices = #map2}]} {
    "tpu.region"() ({
      %run_scoped3A = tpu.sem_alloc : memref<!tpu.dma_semaphore, #tpu.memory_space<semaphore_mem>>
      %dma_start3A = arith.constant 0 : i32
      %dma_start3A_11 = arith.constant 0 : i32
      %dma_start3A_12 = tpu.memref_slice %arg3[%arg0, %arg1, %dma_start3A, %dma_start3A_11] : memref<2x16x79x128xi32, #tpu.memory_space<hbm>> -> memref<1x1x79x128xi32, #tpu.memory_space<hbm>>
      %dma_start3A_13 = tpu.memref_squeeze %dma_start3A_12 : memref<1x1x79x128xi32, #tpu.memory_space<hbm>> -> memref<79x128xi32, #tpu.memory_space<hbm>>
      %dma_start3A_14 = arith.constant 0 : i32
      %dma_start3A_15 = arith.constant 0 : i32
      %dma_start3A_16 = tpu.memref_slice %arg3[%arg0, %arg1, %dma_start3A_14, %dma_start3A_15] : memref<2x16x79x128xi32, #tpu.memory_space<hbm>> -> memref<1x1x79x128xi32, #tpu.memory_space<hbm>>
      %dma_start3A_17 = tpu.memref_squeeze %dma_start3A_16 : memref<1x1x79x128xi32, #tpu.memory_space<hbm>> -> memref<79x128xi32, #tpu.memory_space<hbm>>
      tpu.enqueue_dma source(%dma_start3A_17 : memref<79x128xi32, #tpu.memory_space<hbm>>) target(%arg7 : memref<79x128xi32, #tpu.memory_space<vmem>>) target_semaphore(%run_scoped3A : memref<!tpu.dma_semaphore, #tpu.memory_space<semaphore_mem>>)
      %dma_wait3A = arith.constant 0 : i32
      %dma_wait3A_18 = arith.constant 0 : i32
      %dma_wait3A_19 = tpu.memref_slice %arg3[%arg0, %arg1, %dma_wait3A, %dma_wait3A_18] : memref<2x16x79x128xi32, #tpu.memory_space<hbm>> -> memref<1x1x79x128xi32, #tpu.memory_space<hbm>>
      %dma_wait3A_20 = tpu.memref_squeeze %dma_wait3A_19 : memref<1x1x79x128xi32, #tpu.memory_space<hbm>> -> memref<79x128xi32, #tpu.memory_space<hbm>>
      %dma_wait3A_21 = arith.constant 0 : i32
      %dma_wait3A_22 = arith.constant 0 : i32
      %dma_wait3A_23 = tpu.memref_slice %arg3[%arg0, %arg1, %dma_wait3A_21, %dma_wait3A_22] : memref<2x16x79x128xi32, #tpu.memory_space<hbm>> -> memref<1x1x79x128xi32, #tpu.memory_space<hbm>>
      %dma_wait3A_24 = tpu.memref_squeeze %dma_wait3A_23 : memref<1x1x79x128xi32, #tpu.memory_space<hbm>> -> memref<79x128xi32, #tpu.memory_space<hbm>>
      tpu.wait_dma2 semaphore(%run_scoped3A : memref<!tpu.dma_semaphore, #tpu.memory_space<semaphore_mem>>) src(%dma_wait3A_24 : memref<79x128xi32, #tpu.memory_space<hbm>>) dst(%arg7 : memref<79x128xi32, #tpu.memory_space<vmem>>)
      tpu.yield
    }) : () -> ()
    "tpu.region"() ({
      %run_scoped3A = tpu.sem_alloc : memref<!tpu.dma_semaphore, #tpu.memory_space<semaphore_mem>>
      %dma_start3A = arith.constant 0 : i32
      %dma_start3A_11 = arith.constant 0 : i32
      %dma_start3A_12 = tpu.memref_slice %arg4[%arg1, %dma_start3A, %dma_start3A_11] : memref<16x79x128xi32, #tpu.memory_space<hbm>> -> memref<1x79x128xi32, #tpu.memory_space<hbm>>
      %dma_start3A_13 = tpu.memref_squeeze %dma_start3A_12 : memref<1x79x128xi32, #tpu.memory_space<hbm>> -> memref<79x128xi32, #tpu.memory_space<hbm>>
      %dma_start3A_14 = arith.constant 0 : i32
      %dma_start3A_15 = arith.constant 0 : i32
      %dma_start3A_16 = tpu.memref_slice %arg4[%arg1, %dma_start3A_14, %dma_start3A_15] : memref<16x79x128xi32, #tpu.memory_space<hbm>> -> memref<1x79x128xi32, #tpu.memory_space<hbm>>
      %dma_start3A_17 = tpu.memref_squeeze %dma_start3A_16 : memref<1x79x128xi32, #tpu.memory_space<hbm>> -> memref<79x128xi32, #tpu.memory_space<hbm>>
      tpu.enqueue_dma source(%dma_start3A_17 : memref<79x128xi32, #tpu.memory_space<hbm>>) target(%arg8 : memref<79x128xi32, #tpu.memory_space<vmem>>) target_semaphore(%run_scoped3A : memref<!tpu.dma_semaphore, #tpu.memory_space<semaphore_mem>>)
      %dma_wait3A = arith.constant 0 : i32
      %dma_wait3A_18 = arith.constant 0 : i32
      %dma_wait3A_19 = tpu.memref_slice %arg4[%arg1, %dma_wait3A, %dma_wait3A_18] : memref<16x79x128xi32, #tpu.memory_space<hbm>> -> memref<1x79x128xi32, #tpu.memory_space<hbm>>
      %dma_wait3A_20 = tpu.memref_squeeze %dma_wait3A_19 : memref<1x79x128xi32, #tpu.memory_space<hbm>> -> memref<79x128xi32, #tpu.memory_space<hbm>>
      %dma_wait3A_21 = arith.constant 0 : i32
      %dma_wait3A_22 = arith.constant 0 : i32
      %dma_wait3A_23 = tpu.memref_slice %arg4[%arg1, %dma_wait3A_21, %dma_wait3A_22] : memref<16x79x128xi32, #tpu.memory_space<hbm>> -> memref<1x79x128xi32, #tpu.memory_space<hbm>>
      %dma_wait3A_24 = tpu.memref_squeeze %dma_wait3A_23 : memref<1x79x128xi32, #tpu.memory_space<hbm>> -> memref<79x128xi32, #tpu.memory_space<hbm>>
      tpu.wait_dma2 semaphore(%run_scoped3A : memref<!tpu.dma_semaphore, #tpu.memory_space<semaphore_mem>>) src(%dma_wait3A_24 : memref<79x128xi32, #tpu.memory_space<hbm>>) dst(%arg8 : memref<79x128xi32, #tpu.memory_space<vmem>>)
      tpu.yield
    }) : () -> ()
    %mul3A = arith.constant 632 : i32
    %mul3A_0 = arith.muli %arg1, %mul3A : i32
    "tpu.region"() ({
      %run_scoped3A = tpu.sem_alloc : memref<!tpu.dma_semaphore, #tpu.memory_space<semaphore_mem>>
      %dma_start3A = arith.constant 0 : i32
      %dma_start3A_11 = tpu.memref_slice %arg10[%mul3A_0, %dma_start3A] : memref<10112x128xf32, #tpu.memory_space<vmem_shared>> -> memref<632x128xf32, #tpu.memory_space<vmem_shared>>
      tpu.enqueue_dma source(%arg5 : memref<632x128xf32, #tpu.memory_space<hbm>>) target(%dma_start3A_11 : memref<632x128xf32, #tpu.memory_space<vmem_shared>>) target_semaphore(%run_scoped3A : memref<!tpu.dma_semaphore, #tpu.memory_space<semaphore_mem>>)
      %dma_wait3A = arith.constant 0 : i32
      %dma_wait3A_12 = tpu.memref_slice %arg10[%mul3A_0, %dma_wait3A] : memref<10112x128xf32, #tpu.memory_space<vmem_shared>> -> memref<632x128xf32, #tpu.memory_space<vmem_shared>>
      tpu.wait_dma2 semaphore(%run_scoped3A : memref<!tpu.dma_semaphore, #tpu.memory_space<semaphore_mem>>) src(%arg5 : memref<632x128xf32, #tpu.memory_space<hbm>>) dst(%dma_wait3A_12 : memref<632x128xf32, #tpu.memory_space<vmem_shared>>)
      tpu.yield
    }) : () -> ()
    %barrier3A = arith.constant 0 : index
    tpu.barrier barrier_id(%barrier3A)
    %scan3A = arith.constant 0 : i32
    %scan3A_1 = arith.constant 0 : i32
    %scan3A_2 = arith.constant 79 : i32
    %scan3A_3 = arith.addi %scan3A_1, %scan3A_2 : i32
    %scan3A_4 = arith.constant 1 : i32
    scf.for %scan3A_11 = %scan3A_1 to %scan3A_3 step %scan3A_4  : i32 {
      %dma_start3A = arith.constant 0 : i32
      %dma_start3A_12 = tpu.memref_slice %arg7[%scan3A_11, %dma_start3A] : memref<79x128xi32, #tpu.memory_space<vmem>> -> memref<1x128xi32, #tpu.memory_space<vmem>>
      %dma_start3A_13 = tpu.memref_squeeze %dma_start3A_12 : memref<1x128xi32, #tpu.memory_space<vmem>> -> memref<128xi32, #tpu.memory_space<vmem>>
      %dma_start3A_14 = arith.constant 0 : i32
      %dma_start3A_15 = arith.constant 0 : i32
      %dma_start3A_16 = tpu.memref_slice %arg2[%dma_start3A_14, %dma_start3A_15] : memref<20000x128xf32, #tpu.memory_space<hbm>> -> memref<20000x128xf32, #tpu.memory_space<hbm>>
      tpu.enqueue_indirect_dma source(%dma_start3A_16 : memref<20000x128xf32, #tpu.memory_space<hbm>>) target(%arg9 : memref<128x128xf32, #tpu.memory_space<vmem>>) offsets(%dma_start3A_13 : memref<128xi32, #tpu.memory_space<vmem>>) semaphore(%arg11 : memref<!tpu.dma_semaphore, #tpu.memory_space<semaphore_mem>>)
      %dma_wait3A = arith.constant 0 : i32
      %dma_wait3A_17 = tpu.memref_slice %arg7[%scan3A_11, %dma_wait3A] : memref<79x128xi32, #tpu.memory_space<vmem>> -> memref<1x128xi32, #tpu.memory_space<vmem>>
      %dma_wait3A_18 = tpu.memref_squeeze %dma_wait3A_17 : memref<1x128xi32, #tpu.memory_space<vmem>> -> memref<128xi32, #tpu.memory_space<vmem>>
      %dma_wait3A_19 = arith.constant 0 : i32
      %dma_wait3A_20 = arith.constant 0 : i32
      %dma_wait3A_21 = tpu.memref_slice %arg2[%dma_wait3A_19, %dma_wait3A_20] : memref<20000x128xf32, #tpu.memory_space<hbm>> -> memref<20000x128xf32, #tpu.memory_space<hbm>>
      tpu.wait_indirect_dma semaphore(%arg11 : memref<!tpu.dma_semaphore, #tpu.memory_space<semaphore_mem>>) src(%dma_wait3A_21 : memref<20000x128xf32, #tpu.memory_space<hbm>>) dst(%arg9 : memref<128x128xf32, #tpu.memory_space<vmem>>)
      "tpu.region"() ({
        %run_scoped3A = tpu.sem_alloc : memref<!tpu.dma_semaphore, #tpu.memory_space<semaphore_mem>>
        %dma_start3A_22 = arith.constant 0 : i32
        %dma_start3A_23 = tpu.memref_slice %arg8[%scan3A_11, %dma_start3A_22] : memref<79x128xi32, #tpu.memory_space<vmem>> -> memref<1x128xi32, #tpu.memory_space<vmem>>
        %dma_start3A_24 = tpu.memref_squeeze %dma_start3A_23 : memref<1x128xi32, #tpu.memory_space<vmem>> -> memref<128xi32, #tpu.memory_space<vmem>>
        %dma_start3A_25 = arith.constant 0 : i32
        %dma_start3A_26 = arith.constant 0 : i32
        %dma_start3A_27 = tpu.memref_slice %arg10[%dma_start3A_25, %dma_start3A_26] : memref<10112x128xf32, #tpu.memory_space<vmem_shared>> -> memref<10112x128xf32, #tpu.memory_space<vmem_shared>>
        tpu.enqueue_indirect_dma source(%arg9 : memref<128x128xf32, #tpu.memory_space<vmem>>) target(%dma_start3A_27 : memref<10112x128xf32, #tpu.memory_space<vmem_shared>>) offsets(%dma_start3A_24 : memref<128xi32, #tpu.memory_space<vmem>>) semaphore(%run_scoped3A : memref<!tpu.dma_semaphore, #tpu.memory_space<semaphore_mem>>) {add = true}
        %dma_wait3A_28 = arith.constant 0 : i32
        %dma_wait3A_29 = tpu.memref_slice %arg8[%scan3A_11, %dma_wait3A_28] : memref<79x128xi32, #tpu.memory_space<vmem>> -> memref<1x128xi32, #tpu.memory_space<vmem>>
        %dma_wait3A_30 = tpu.memref_squeeze %dma_wait3A_29 : memref<1x128xi32, #tpu.memory_space<vmem>> -> memref<128xi32, #tpu.memory_space<vmem>>
        %dma_wait3A_31 = arith.constant 0 : i32
        %dma_wait3A_32 = arith.constant 0 : i32
        %dma_wait3A_33 = tpu.memref_slice %arg10[%dma_wait3A_31, %dma_wait3A_32] : memref<10112x128xf32, #tpu.memory_space<vmem_shared>> -> memref<10112x128xf32, #tpu.memory_space<vmem_shared>>
        tpu.wait_indirect_dma semaphore(%run_scoped3A : memref<!tpu.dma_semaphore, #tpu.memory_space<semaphore_mem>>) src(%arg9 : memref<128x128xf32, #tpu.memory_space<vmem>>) dst(%dma_wait3A_33 : memref<10112x128xf32, #tpu.memory_space<vmem_shared>>)
        tpu.yield
      }) : () -> ()
    }
    %scan3A_5 = arith.constant 79 : i32
    %barrier3A_6 = arith.constant 0 : index
    tpu.barrier barrier_id(%barrier3A_6)
    %mul3A_7 = arith.constant 632 : i32
    %mul3A_8 = arith.muli %arg1, %mul3A_7 : i32
    %mul3A_9 = arith.constant 632 : i32
    %mul3A_10 = arith.muli %arg1, %mul3A_9 : i32
    "tpu.region"() ({
      %run_scoped3A = tpu.sem_alloc : memref<!tpu.dma_semaphore, #tpu.memory_space<semaphore_mem>>
      %dma_start3A = arith.constant 0 : i32
      %dma_start3A_11 = tpu.memref_slice %arg6[%arg0, %mul3A_10, %dma_start3A] : memref<2x10112x128xf32, #tpu.memory_space<hbm>> -> memref<1x632x128xf32, #tpu.memory_space<hbm>>
      %dma_start3A_12 = tpu.memref_squeeze %dma_start3A_11 : memref<1x632x128xf32, #tpu.memory_space<hbm>> -> memref<632x128xf32, #tpu.memory_space<hbm>>
      %dma_start3A_13 = arith.constant 0 : i32
      %dma_start3A_14 = tpu.memref_slice %arg10[%mul3A_8, %dma_start3A_13] : memref<10112x128xf32, #tpu.memory_space<vmem_shared>> -> memref<632x128xf32, #tpu.memory_space<vmem_shared>>
      tpu.enqueue_dma source(%dma_start3A_14 : memref<632x128xf32, #tpu.memory_space<vmem_shared>>) target(%dma_start3A_12 : memref<632x128xf32, #tpu.memory_space<hbm>>) target_semaphore(%run_scoped3A : memref<!tpu.dma_semaphore, #tpu.memory_space<semaphore_mem>>)
      %dma_wait3A = arith.constant 0 : i32
      %dma_wait3A_15 = tpu.memref_slice %arg6[%arg0, %mul3A_10, %dma_wait3A] : memref<2x10112x128xf32, #tpu.memory_space<hbm>> -> memref<1x632x128xf32, #tpu.memory_space<hbm>>
      %dma_wait3A_16 = tpu.memref_squeeze %dma_wait3A_15 : memref<1x632x128xf32, #tpu.memory_space<hbm>> -> memref<632x128xf32, #tpu.memory_space<hbm>>
      %dma_wait3A_17 = arith.constant 0 : i32
      %dma_wait3A_18 = tpu.memref_slice %arg10[%mul3A_8, %dma_wait3A_17] : memref<10112x128xf32, #tpu.memory_space<vmem_shared>> -> memref<632x128xf32, #tpu.memory_space<vmem_shared>>
      tpu.wait_dma2 semaphore(%run_scoped3A : memref<!tpu.dma_semaphore, #tpu.memory_space<semaphore_mem>>) src(%dma_wait3A_18 : memref<632x128xf32, #tpu.memory_space<vmem_shared>>) dst(%dma_wait3A_16 : memref<632x128xf32, #tpu.memory_space<hbm>>)
      tpu.yield
    }) : () -> ()
    return
  }
}

module attributes {stable_mosaic.version = 14 : i64} {
  func.func @_ln_relu_body(%arg0: i32, %arg1: memref<1000x256xf32, #tpu.memory_space<vmem>>, %arg2: memref<1x256xf32, #tpu.memory_space<vmem>>, %arg3: memref<1x256xf32, #tpu.memory_space<vmem>>, %arg4: memref<2x1000x128xf32, #tpu.memory_space<vmem>>) attributes {dimension_semantics = [#tpu.dimension_semantics<arbitrary>], iteration_bounds = array<i64: 10>, scalar_prefetch = 0 : i64, scratch_operands = 0 : i64, tpu.core_type = #tpu.core_type<tc>, window_params = [{transform_indices = @transform_0, window_bounds = array<i64: 1000, 256>}, {pipeline_mode = #tpu.pipeline_mode<synchronous>, transform_indices = @transform_1, window_bounds = array<i64: 1, 256>}, {pipeline_mode = #tpu.pipeline_mode<synchronous>, transform_indices = @transform_2, window_bounds = array<i64: 1, 256>}, {transform_indices = @transform_3, window_bounds = array<i64: 2, 1000, 128>}]} {
    %get3A = arith.constant 0 : index
    %get3A_0 = arith.constant 0 : index
    %get3A_1 = vector.load %arg1[%get3A, %get3A_0] : memref<1000x256xf32, #tpu.memory_space<vmem>>, vector<1000x256xf32>
    %reduce_sum3A = arith.constant dense<0.000000e+00> : vector<1000xf32>
    %reduce_sum3A_2 = vector.multi_reduction <add>, %get3A_1, %reduce_sum3A [1] : vector<1000x256xf32> to vector<1000xf32>
    %broadcast_in_dim3A = vector.shape_cast %reduce_sum3A_2 : vector<1000xf32> to vector<1000x1xf32>
    %div3A = arith.constant 2.560000e+02 : f32
    %div3A_3 = vector.broadcast %div3A : f32 to vector<1000x1xf32>
    %div3A_4 = arith.divf %broadcast_in_dim3A, %div3A_3 : vector<1000x1xf32>
    %sub3A = vector.broadcast %div3A_4 : vector<1000x1xf32> to vector<1000x256xf32>
    %sub3A_5 = arith.subf %get3A_1, %sub3A : vector<1000x256xf32>
    %mul3A = arith.mulf %sub3A_5, %sub3A_5 : vector<1000x256xf32>
    %reduce_sum3A_6 = arith.constant dense<0.000000e+00> : vector<1000xf32>
    %reduce_sum3A_7 = vector.multi_reduction <add>, %mul3A, %reduce_sum3A_6 [1] : vector<1000x256xf32> to vector<1000xf32>
    %broadcast_in_dim3A_8 = vector.shape_cast %reduce_sum3A_7 : vector<1000xf32> to vector<1000x1xf32>
    %div3A_9 = arith.constant 2.560000e+02 : f32
    %div3A_10 = vector.broadcast %div3A_9 : f32 to vector<1000x1xf32>
    %div3A_11 = arith.divf %broadcast_in_dim3A_8, %div3A_10 : vector<1000x1xf32>
    %add3A = arith.constant 9.99999974E-6 : f32
    %add3A_12 = vector.broadcast %add3A : f32 to vector<1000x1xf32>
    %add3A_13 = arith.addf %div3A_11, %add3A_12 : vector<1000x1xf32>
    %rsqrt3A = math.rsqrt %add3A_13 : vector<1000x1xf32>
    %mul3A_14 = vector.broadcast %rsqrt3A : vector<1000x1xf32> to vector<1000x256xf32>
    %mul3A_15 = arith.mulf %sub3A_5, %mul3A_14 : vector<1000x256xf32>
    %get3A_16 = arith.constant 0 : index
    %get3A_17 = arith.constant 0 : index
    %get3A_18 = vector.load %arg2[%get3A_16, %get3A_17] : memref<1x256xf32, #tpu.memory_space<vmem>>, vector<1x256xf32>
    %mul3A_19 = vector.broadcast %get3A_18 : vector<1x256xf32> to vector<1000x256xf32>
    %mul3A_20 = arith.mulf %mul3A_15, %mul3A_19 : vector<1000x256xf32>
    %get3A_21 = arith.constant 0 : index
    %get3A_22 = arith.constant 0 : index
    %get3A_23 = vector.load %arg3[%get3A_21, %get3A_22] : memref<1x256xf32, #tpu.memory_space<vmem>>, vector<1x256xf32>
    %add3A_24 = vector.broadcast %get3A_23 : vector<1x256xf32> to vector<1000x256xf32>
    %add3A_25 = arith.addf %mul3A_20, %add3A_24 : vector<1000x256xf32>
    %max3A = arith.constant 0.000000e+00 : f32
    %max3A_26 = vector.broadcast %max3A : f32 to vector<1000x256xf32>
    %max3A_27 = arith.maximumf %add3A_25, %max3A_26 : vector<1000x256xf32>
    %slice3A = vector.extract_strided_slice %max3A_27 {offsets = [0, 0], sizes = [1000, 128], strides = [1, 1]} : vector<1000x256xf32> to vector<1000x128xf32>
    %swap3A = arith.constant 0 : index
    %swap3A_28 = arith.constant 0 : index
    %swap3A_29 = arith.constant 0 : index
    %swap3A_30 = vector.load %arg4[%swap3A, %swap3A_28, %swap3A_29] : memref<2x1000x128xf32, #tpu.memory_space<vmem>>, vector<1x1000x128xf32>
    %swap3A_31 = vector.shape_cast %swap3A_30 : vector<1x1000x128xf32> to vector<1000x128xf32>
    %swap3A_32 = vector.shape_cast %slice3A : vector<1000x128xf32> to vector<1x1000x128xf32>
    tpu.vector_store %arg4[%swap3A, %swap3A_28, %swap3A_29], %swap3A_32 {strides = array<i32>} : memref<2x1000x128xf32, #tpu.memory_space<vmem>>, vector<1x1000x128xf32>,
    %slice3A_33 = vector.extract_strided_slice %max3A_27 {offsets = [0, 128], sizes = [1000, 128], strides = [1, 1]} : vector<1000x256xf32> to vector<1000x128xf32>
    %swap3A_34 = arith.constant 1 : index
    %swap3A_35 = arith.constant 0 : index
    %swap3A_36 = arith.constant 0 : index
    %swap3A_37 = vector.load %arg4[%swap3A_34, %swap3A_35, %swap3A_36] : memref<2x1000x128xf32, #tpu.memory_space<vmem>>, vector<1x1000x128xf32>
    %swap3A_38 = vector.shape_cast %swap3A_37 : vector<1x1000x128xf32> to vector<1000x128xf32>
    %swap3A_39 = vector.shape_cast %slice3A_33 : vector<1000x128xf32> to vector<1x1000x128xf32>
    tpu.vector_store %arg4[%swap3A_34, %swap3A_35, %swap3A_36], %swap3A_39 {strides = array<i32>} : memref<2x1000x128xf32, #tpu.memory_space<vmem>>, vector<1x1000x128xf32>,
    return
  }
  func.func @transform_0(%arg0: i32) -> (i32, i32) {
    %c0_i32 = arith.constant 0 : i32
    %c0_i32_0 = arith.constant 0 : i32
    return %arg0, %c0_i32 : i32, i32
  }
  func.func @transform_1(%arg0: i32) -> (i32, i32) {
    %c0_i32 = arith.constant 0 : i32
    %c0_i32_0 = arith.constant 0 : i32
    %c0_i32_1 = arith.constant 0 : i32
    return %c0_i32, %c0_i32_0 : i32, i32
  }
  func.func @transform_2(%arg0: i32) -> (i32, i32) {
    %c0_i32 = arith.constant 0 : i32
    %c0_i32_0 = arith.constant 0 : i32
    %c0_i32_1 = arith.constant 0 : i32
    return %c0_i32, %c0_i32_0 : i32, i32
  }
  func.func @transform_3(%arg0: i32) -> (i32, i32, i32) {
    %c0_i32 = arith.constant 0 : i32
    %c0_i32_0 = arith.constant 0 : i32
    %c0_i32_1 = arith.constant 0 : i32
    return %c0_i32, %arg0, %c0_i32_0 : i32, i32, i32
  }
}

module attributes {stable_mosaic.version = 14 : i64} {
  func.func @_mm_body(%arg0: i32, %arg1: memref<2x1000x128xf32, #tpu.memory_space<vmem>>, %arg2: memref<256x256xf32, #tpu.memory_space<vmem>>, %arg3: memref<1x256xf32, #tpu.memory_space<vmem>>, %arg4: memref<1000x256xf32, #tpu.memory_space<vmem>>) attributes {dimension_semantics = [#tpu.dimension_semantics<arbitrary>], iteration_bounds = array<i64: 10>, scalar_prefetch = 0 : i64, scratch_operands = 0 : i64, tpu.core_type = #tpu.core_type<tc>, window_params = [{transform_indices = @transform_0, window_bounds = array<i64: 2, 1000, 128>}, {pipeline_mode = #tpu.pipeline_mode<synchronous>, transform_indices = @transform_1, window_bounds = array<i64: 256, 256>}, {pipeline_mode = #tpu.pipeline_mode<synchronous>, transform_indices = @transform_2, window_bounds = array<i64: 1, 256>}, {transform_indices = @transform_3, window_bounds = array<i64: 1000, 256>}]} {
    %get3A = arith.constant 0 : index
    %get3A_0 = arith.constant 0 : index
    %get3A_1 = arith.constant 0 : index
    %get3A_2 = vector.load %arg1[%get3A, %get3A_0, %get3A_1] : memref<2x1000x128xf32, #tpu.memory_space<vmem>>, vector<1x1000x128xf32>
    %get3A_3 = vector.shape_cast %get3A_2 : vector<1x1000x128xf32> to vector<1000x128xf32>
    %get3A_4 = arith.constant 1 : index
    %get3A_5 = arith.constant 0 : index
    %get3A_6 = arith.constant 0 : index
    %get3A_7 = vector.load %arg1[%get3A_4, %get3A_5, %get3A_6] : memref<2x1000x128xf32, #tpu.memory_space<vmem>>, vector<1x1000x128xf32>
    %get3A_8 = vector.shape_cast %get3A_7 : vector<1x1000x128xf32> to vector<1000x128xf32>
    %get3A_9 = arith.constant 0 : index
    %get3A_10 = arith.constant 0 : index
    %get3A_11 = vector.load %arg2[%get3A_9, %get3A_10] : memref<256x256xf32, #tpu.memory_space<vmem>>, vector<256x256xf32>
    %slice3A = vector.extract_strided_slice %get3A_11 {offsets = [0, 0], sizes = [256, 128], strides = [1, 1]} : vector<256x256xf32> to vector<256x128xf32>
    %dot_general3A = arith.constant dense<0.000000e+00> : vector<1000x256xf32>
    %dot_general3A_12 = tpu.matmul %get3A_3, %slice3A, %dot_general3A {dimension_numbers = #tpu.dot_dimension_numbers<[1], [1], [0], [0], [0, 0, 1, 0], [], []>, transpose_lhs_hint = false} : vector<1000x128xf32>, vector<256x128xf32>, vector<1000x256xf32> -> vector<1000x256xf32>
    %slice3A_13 = vector.extract_strided_slice %get3A_11 {offsets = [0, 128], sizes = [256, 128], strides = [1, 1]} : vector<256x256xf32> to vector<256x128xf32>
    %dot_general3A_14 = arith.constant dense<0.000000e+00> : vector<1000x256xf32>
    %dot_general3A_15 = tpu.matmul %get3A_8, %slice3A_13, %dot_general3A_14 {dimension_numbers = #tpu.dot_dimension_numbers<[1], [1], [0], [0], [0, 0, 1, 0], [], []>, transpose_lhs_hint = false} : vector<1000x128xf32>, vector<256x128xf32>, vector<1000x256xf32> -> vector<1000x256xf32>
    %add3A = arith.addf %dot_general3A_12, %dot_general3A_15 : vector<1000x256xf32>
    %get3A_16 = arith.constant 0 : index
    %get3A_17 = arith.constant 0 : index
    %get3A_18 = vector.load %arg3[%get3A_16, %get3A_17] : memref<1x256xf32, #tpu.memory_space<vmem>>, vector<1x256xf32>
    %add3A_19 = vector.broadcast %get3A_18 : vector<1x256xf32> to vector<1000x256xf32>
    %add3A_20 = arith.addf %add3A, %add3A_19 : vector<1000x256xf32>
    %swap3A = arith.constant 0 : index
    %swap3A_21 = arith.constant 0 : index
    %swap3A_22 = vector.load %arg4[%swap3A, %swap3A_21] : memref<1000x256xf32, #tpu.memory_space<vmem>>, vector<1000x256xf32>
    tpu.vector_store %arg4[%swap3A, %swap3A_21], %add3A_20 {strides = array<i32>} : memref<1000x256xf32, #tpu.memory_space<vmem>>, vector<1000x256xf32>,
    return
  }
  func.func @transform_0(%arg0: i32) -> (i32, i32, i32) {
    %c0_i32 = arith.constant 0 : i32
    %c0_i32_0 = arith.constant 0 : i32
    %c0_i32_1 = arith.constant 0 : i32
    return %c0_i32, %arg0, %c0_i32_0 : i32, i32, i32
  }
  func.func @transform_1(%arg0: i32) -> (i32, i32) {
    %c0_i32 = arith.constant 0 : i32
    %c0_i32_0 = arith.constant 0 : i32
    %c0_i32_1 = arith.constant 0 : i32
    return %c0_i32, %c0_i32_0 : i32, i32
  }
  func.func @transform_2(%arg0: i32) -> (i32, i32) {
    %c0_i32 = arith.constant 0 : i32
    %c0_i32_0 = arith.constant 0 : i32
    %c0_i32_1 = arith.constant 0 : i32
    return %c0_i32, %c0_i32_0 : i32, i32
  }
  func.func @transform_3(%arg0: i32) -> (i32, i32) {
    %c0_i32 = arith.constant 0 : i32
    %c0_i32_0 = arith.constant 0 : i32
    return %arg0, %c0_i32 : i32, i32
  }
}

</mosaic_0001>

<sc_bundles>
// kernel: kernel.5.cloned.1.call-start
scs
__scs_entry_jumppad:
0x0: {  	(pc) =	sbr.rel $0x88, $3  }
0x1: {  	(tag) =	ssettag $0x0;
	lr =	simm.s32 $0x1  }
0x2: {  	[smem:$0x3F9B] =	sst lr;
	_ =	strace $0xD0000000  }
0x3: {  	_ = 	snop  }
0x4: {  	_ = 	snop  }
0x5: {  	_ = 	snop  }
0x6: {  	_ = 	snop  }
0x7: {  	_ = 	snop  }
__scs_overlays_trampoline_lowered:
0x8: {  	[smem:$0x3FAA] =	sst s0  }
0x9: {  	[smem:$0x3FAB] =	sst s1  }
0xa: {  	[smem:$0x3FAC] =	sst s2  }
0xb: {  	[smem:$0x3FAD] =	sst s3  }
0xc: {  	[smem:$0x3FAE] =	sst s4  }
0xd: {  	[smem:$0x3FAF] =	sst s5  }
0xe: {  	[smem:$0x3FB0] =	sst s6  }
0xf: {  	[smem:$0x3FB1] =	sst s7  }
0x10: {  	[smem:$0x3FB2] =	sst s8  }
0x11: {  	[smem:$0x3FB3] =	sst s9;
	s0 =	simm.s32 @!p0 $0x0  }
0x12: {  	s1 =	sld [smem:$0x3F99];
	s0 =	simm.s32 @p0 $0x1  }
0x13: {  	[smem:$0x3FB4] =	sst s0;
	s0 =	simm.s32 @!p1 $0x0  }
0x14: {  	s2 =	sld [smem:$0x3F98];
	s0 =	simm.s32 @p1 $0x1  }
0x15: {  	[smem:$0x3FB5] =	sst s0;
	s0 =	simm.s32 @!p2 $0x0  }
0x16: {  	s3 =	sld [smem:$0x3FDB];
	s0 =	simm.s32 @p2 $0x1  }
0x17: {  	s4 =	simm.s32 $0x1BF5;
	[smem:$0x3FB7] =	sst s0  }
0x18: {  	s0 =	sld [smem:$0x3F9A];
	_ =	swait.ge [sflag:s4], $0x0  }
0x19: {  	s7 =	sld [smem:$0x3F9B]  }
0x1a: {  	s8 =	sadd.s32 $0xFFFFE003, lr  }
0x1b: {  	s9 =	sadd.s32 $0xFFFFFEF7, lr;
	s5 =	simm.s32 $0xFFFFFFFF;
	p2 =	slt.u32 s8, $0xFFFFF086  }
0x1c: {  	p1 =	slt.u32 s9, $0xF7A;
	s5 =	simm.s32 @!p2 $0x0  }
0x1d: {  	s5 =	simm.s32 @p1 $0x1;
	p0 =	seq.s32 s7, s2  }
0x1e: {  	s7 =	smul.u32 @!p0 $0xF7A, s2;
	p2 =	seq.s32 @!p0 s5, $0x0  }
0x1f: {  	s9 =	smul.u32 $0xF7A, s1;
	s8 =	simm.s32 @!p0 $0x1BF5;
	p2 =	por !p2, p0  }
0x20: {  	[sflag:s8] =	ssyncset.s32 @!p0 $0xFFFFF086;
	s6 =	sadd.s32 @!p0 s3, s7;
	s7 =	simm.s32 @!p0 $0x108  }
0x21: {  	s3 =	sadd.s32 s3, s9;
	s6 =	sadd.s32 @!p0 $0x88, s6;
	s7 =	simm.s32 @p2 $0x1082  }
0x22: {  	[simem:s7], [sflag:s8] =	dma.local @!p0 [hbm:s6], $0xF7A  }
0x23: {  	s9 =	sor.u32 $0xD0000000, s2;
	s6 =	simm.s32 $0x108;
	_ =	swait.ge @!p0 [sflag:s8], $0x0  }
0x24: {  	s3 =	sadd.s32 $0x88, s3;
	s6 =	simm.s32 @!p1 $0x1082;
	[sflag:s4] =	ssyncset.s32 $0xFFFFF086  }
0x25: {  	[simem:s6], [sflag:s4] =	dma.local [hbm:s3], $0xF7A  }
0x26: {  	[smem:$0x3F9B] =	sst s1;
	(tag) =	ssettag s2;
	_ =	strace s9  }
0x27: {  	s1 =	sld [smem:$0x3FAB]  }
0x28: {  	s2 =	sld [smem:$0x3FAC]  }
0x29: {  	s4 =	sld [smem:$0x3FAE]  }
0x2a: {  	p0 =	seq.s32 s5, $0x0;
	s5 =	sld [smem:$0x3FAF]  }
0x2b: {  	s6 =	sld [smem:$0x3FB0]  }
0x2c: {  	s7 =	sld [smem:$0x3FB1]  }
0x2d: {  	s3 =	simm.s32 $0x108;
	s8 =	sld [smem:$0x3FB2]  }
0x2e: {  	s3 =	simm.s32 @!p0 $0x1082;
	s9 =	sld [smem:$0x3FB3]  }
0x2f: {  	lr =	sadd.s32 s0, s3;
	s0 =	sld [smem:$0x3FAA]  }
0x30: {  	s3 =	sld [smem:$0x3FAD]  }
0x31: {  	[smem:$0x3FB6] =	sst s10  }
0x32: {  	s10 =	sld [smem:$0x3FB4];
	_ =	sdelay $0x3  }
0x33: {  	p0 =	seq.s32 s10, $0x1;
	s10 =	sld [smem:$0x3FB6];
	_ =	sdelay $0x3  }
0x34: {  	[smem:$0x3FB6] =	sst s10  }
0x35: {  	s10 =	sld [smem:$0x3FB5];
	_ =	sdelay $0x3  }
0x36: {  	p1 =	seq.s32 s10, $0x1;
	s10 =	sld [smem:$0x3FB6];
	_ =	sdelay $0x3  }
0x37: {  	[smem:$0x3FB6] =	sst s10  }
0x38: {  	s10 =	sld [smem:$0x3FB7]  }
0x39: {  	_ = 	snop;
	(pc) =	sbr.ind lr, $3  }
0x3a: {  	_ = 	snop  }
0x3b: {  	_ = 	snop  }
0x3c: {  	p2 =	seq.s32 s10, $0x1;
	s10 =	sld [smem:$0x3FB6]  }
0x3d: {  	_ =	shalt  }
0x3e: {  	_ =	shalt  }
0x3f: {  	_ =	shalt  }
0x40: {  	_ =	shalt  }
0x41: {  	_ =	shalt  }
0x42: {  	_ =	shalt  }
0x43: {  	_ =	shalt  }
0x44: {  	_ =	shalt  }
0x45: {  	_ =	shalt  }
0x46: {  	_ =	shalt  }
0x47: {  	_ =	shalt  }
0x48: {  	_ =	shalt  }
0x49: {  	_ =	shalt  }
0x4a: {  	_ =	shalt  }
0x4b: {  	_ =	shalt  }
0x4c: {  	_ =	shalt  }
0x4d: {  	_ =	shalt  }
0x4e: {  	_ =	shalt  }
0x4f: {  	_ =	shalt  }
0x50: {  	_ =	shalt  }
0x51: {  	_ =	shalt  }
0x52: {  	_ =	shalt  }
0x53: {  	_ =	shalt  }
0x54: {  	_ =	shalt  }
0x55: {  	_ =	shalt  }
0x56: {  	_ =	shalt  }
0x57: {  	_ =	shalt  }
0x58: {  	_ =	shalt  }
0x59: {  	_ =	shalt  }
0x5a: {  	_ =	shalt  }
0x5b: {  	_ =	shalt  }
0x5c: {  	_ =	shalt  }
0x5d: {  	_ =	shalt  }
0x5e: {  	_ =	shalt  }
0x5f: {  	_ =	shalt  }
0x60: {  	_ =	shalt  }
0x61: {  	_ =	shalt  }
0x62: {  	_ =	shalt  }
0x63: {  	_ =	shalt  }
0x64: {  	_ =	shalt  }
0x65: {  	_ =	shalt  }
0x66: {  	_ =	shalt  }
0x67: {  	_ =	shalt  }
0x68: {  	_ =	shalt  }
0x69: {  	_ =	shalt  }
0x6a: {  	_ =	shalt  }
0x6b: {  	_ =	shalt  }
0x6c: {  	_ =	shalt  }
0x6d: {  	_ =	shalt  }
0x6e: {  	_ =	shalt  }
0x6f: {  	_ =	shalt  }
0x70: {  	_ =	shalt  }
0x71: {  	_ =	shalt  }
0x72: {  	_ =	shalt  }
0x73: {  	_ =	shalt  }
0x74: {  	_ =	shalt  }
0x75: {  	_ =	shalt  }
0x76: {  	_ =	shalt  }
0x77: {  	_ =	shalt  }
0x78: {  	_ =	shalt  }
0x79: {  	_ =	shalt  }
0x7a: {  	_ =	shalt  }
0x7b: {  	_ =	shalt  }
0x7c: {  	_ =	shalt  }
0x7d: {  	_ =	shalt  }
0x7e: {  	_ =	shalt  }
0x7f: {  	_ =	shalt  }
0x80: {  	_ =	shalt  }
0x81: {  	_ =	shalt  }
0x82: {  	_ =	shalt  }
0x83: {  	_ =	shalt  }
0x84: {  	_ =	shalt  }
0x85: {  	_ =	shalt  }
0x86: {  	_ =	shalt  }
0x87: {  	_ =	shalt  }
.Lfunc_end0:
.L_simem_size_0:
called_computation_lowered:
.L_overlay_start_0:
0x88: {  	s2 =	sld [smem:$0x3FD9]  }
0x89: {  	s3 =	sld [smem:$0x3FFE];
	_ =	sdelay $0x1  }
0x8a: {  	s1 =	srdreg.scid  }
0x8b: {  	s0 =	sand.u32 $0x1, s1  }
0x8c: {  	s17 =	sshll.u32 s0, $0xA;
	s2 =	sadd.s32 s3, s2  }
0x8d: {  	s2 =	sadd.s32 s2, s17  }
0x8e: {  	[smem:$0x3FC2] =	sst s2  }
0x8f: {  	_ = 	snop  }
0x90: {  	s2 =	sld [smem:$0x3FD0];
	(tm) =	ssettm $0x1  }
0x91: {  	s18 =	sld [smem:$0x3FFB];
	_ =	sdelay $0x3  }
0x92: {  	_ =	strace s18  }
0x93: {  	s3 =	sld [smem:$0x3FFC];
	_ =	sdelay $0x3  }
0x94: {  	_ =	strace s3  }
0x95: {  	s3 =	sld [smem:$0x3FFD];
	_ =	sdelay $0x3  }
0x96: {  	_ =	strace s3  }
0x97: {  	_ =	strace $0x8FFFFFFF  }
0x98: {  	s19 =	sld [smem:$0x3FDB];
	_ =	sdelay $0x1  }
0x99: {  	s4 =	simm.s32 $_scs_section_size  }
0x9a: {  	s5 =	simm.s32 $_size__tile_overlayer_lowered;
	s6 =	simm.s32 $_tile_overlayer_lowered  }
0x9b: {  	s22 =	simm.s32 $0x1BFF;
	s21 =	sshll.u32 s6, $0x1;
	s3 =	sadd.s32 s4, s19  }
0x9c: {  	s7 =	simm.s32 $0x0;
	s20 =	sshll.u32 s5, $0x1;
	s5 =	sadd.s32 s21, s3  }
0x9d: {  	[timem:s7], [sflag:s22] =	dma.local [hbm:s5], s20  }
0x9e: {  	_ =	swait.ge [sflag:s22], s20  }
0x9f: {  	s4 =	ssub.s32 $0x0, s20;
	[sflag:s22] =	ssyncset.done $0x0  }
0xa0: {  	[sflag:s22] =	ssyncadd.s32 s4;
	_ =	sdelay $0x1  }
0xa1: {  	s23 =	simm.s32 $0x1B8B  }
0xa2: {  	_ =	swait.ge [sflag:s23], $0x1  }
0xa3: {  	[sflag:s23] =	ssyncset.done $0x0  }
0xa4: {  	s25 =	simm.s32 $0x1B8E;
	s24 =	sld [smem:$0x3FFE];
	[sflag:s23] =	ssyncadd.s32 $0xFFFFFFFF  }
0xa5: {  	s26 =	simm.s32 $execute0_lowered;
	[smem:$0x3FD2] =	sst s25  }
0xa6: {  	s5 =	sshll.u32 s26, $0x1;
	_ =	strace $0x80000046;
	[dreg:$0x1] =	wrdreg $0xFFFFFFFF  }
0xa7: {  	s28 =	simm.s32 $_size_execute0_lowered;
	s3 =	sadd.s32 s3, s5;
	[dreg:$0x0] =	wrdreg $0x0  }
0xa8: {  	s5 =	sshll.u32 s28, $0x1;
	[dreg:$0x2] =	wrdreg s3  }
0xa9: {  	[dreg:$0x3] =	wrdreg s5  }
0xaa: {  	[dreg:$0x4] =	wrdreg $0xC0  }
0xab: {  	_ =	task [dreg:s7], $0x5FFFF  }
0xac: {  	[dreg:$0x1] =	wrdreg $0xFFFFFFFF  }
0xad: {  	[dreg:$0x0] =	wrdreg $0x60  }
0xae: {  	[dreg:$0x2] =	wrdreg s2  }
0xaf: {  	[dreg:$0x3] =	wrdreg s24  }
0xb0: {  	[dreg:$0x4] =	wrdreg $0x90000  }
0xb1: {  	[dreg:$0x5] =	wrdreg $0x9  }
0xb2: {  	_ =	task.clear_ibuf [dreg:s7], $0x6FFFF;
	_ =	strace $0x90000046  }
0xb3: {  	s29 =	simm.s32 $0x9;
	_ =	strace $0x80000048  }
0xb4: {  	_ =	swait.ge [sflag:s29], $0x1  }
0xb5: {  	[sflag:s29] =	ssyncadd.s32 $0xFFFFFFFF  }
0xb6: {  	_ =	strace $0x90000048  }
0xb7: {  	_ =	sfence  }
0xb8: {  	s30 =	sld [smem:$0x0];
	_ =	sdelay $0x2  }
0xb9: {  	s31 =	sshll.u32 s1, $0xD;
	s1 =	sshrl.u32 s1, $0x2  }
0xba: {  	s3 =	sand.u32 $0x4000, s31;
	s1 =	sadd.s32 s1, s30  }
0xbb: {  	s0 =	sor.u32 s3, s0;
	s1 =	sshll.u32 s1, $0x11  }
0xbc: {  	s0 =	sor.u32 s1, s0  }
0xbd: {  	s0 =	sadd.s32 $0x8F2B, s0  }
0xbe: {  	[sflag:s0] =	ssyncadd.remote.s32 $0x1  }
0xbf: {  	_ =	sfence.sel $0xFFFF  }
0xc0: {  	[dreg:$0x0] =	wrdreg $0xFFFFFFFF;
	(pc) =	sbr.abs _section_cstart, $3  }
0xc1: {  	[dreg:$0x1] =	wrdreg $0xFFFFFFFF  }
0xc2: {  	_ =	task.clear_ibuf [dreg:s7], $0x2FFFF;
	_ =	strace $0x9FFFFFFF  }
0xc3: {  	(tm) =	ssettm $0x7FFFFFFF  }
tec
execute0_lowered:
.L_overlay_start_1:
0x0: {  	(tag) =	ssettag $0x1  }
0x1: {  	s1 =	rddreg [dreg:$0x0]  }
0x2: {  	s2 =	srdreg.scid;
	s6 =	rddreg [dreg:$0x1]  }
0x3: {  	s0 =	stileid.u32;
	s3 =	rddreg [dreg:$0x2];
	s4 =	simm.s32 $0x0  }
0x4: {  	s14 =	simm.s32 $0x80;
	s15 =	simm.s32 $0x5000;
	s7 =	smul.u32 $0x2800, s0  }
0x5: {  	s16 =	simm.s32 $0x1;
	s17 =	simm.s32 $0x0;
	s10 =	smul.u32 $0x13C00, s0  }
0x6: {  	s5 =	sand.u32 $0x1, s2;
	s2 =	rddreg [dreg:$0x3];
	s12 =	smul.u32 $0x4F000, s0  }
0x7: {  	[smem:$0x7FF] =	sst s4;
	s31 =	sshll.u32 s0, $0x6;
	s8 =	smul.u32 $0x28000, s5  }
0x8: {  	s9 =	smul.u32 $0x13C000, s5;
	_ =	strace $0x80000047;
	s29 =	ssub.s32 $0x2, s5  }
0x9: {  	s5 =	sadd.s32 $0xFC00, s6;
	s11 =	sshrl.u32 s29, $0x1;
	s30 =	sshrl.u32 s12, $0x2  }
0xa: {  	s12 =	sor.u32 $0x1C02, s31;
	s8 =	sadd.s32 s7, s8;
	s7 =	sshrl.u32 s7, $0x3  }
0xb: {  	s9 =	sadd.s32 s10, s9;
	s10 =	ssub.s32 s29, s11;
	s13 =	sadd.s32 s30, s3  }
0xc: {  	s11 =	simm.s32 $0x2800;
	s8 =	sshrl.u32 s8, $0x3;
	s7 =	sadd.s32 s7, s6  }
0xd: {  	s9 =	sshrl.u32 s9, $0x3;
	s13 =	sshrl.u32 s13, $0x3;
	s8 =	sadd.s32 s8, s6  }
0xe: {  	s9 =	sadd.s32 s9, s6;
	s7 =	sadd.s32 $0xC00, s7;
	s6 =	sadd.s32 $0x5C00, s8  }
0xf: {  	s8 =	sadd.s32 $0x12400, s9;
	s9 =	smax.u32 s10, $0x1;
	s10 =	simm.s32 $0x2  }
.LBB2_1:
0x10: {  	[tilespmem:s4], [sflag:$0x2] =	stream.linear.gather [hbm4b:s6+s4], $0x2780, $0x38;
	[tilespmem:$0x1CC00] =	vst v63  }
0x11: {  	_ =	swait.ge [sflag:s10], $0x2780  }
0x12: {  	[sflag:s10] =	ssyncset.done $0x0  }
0x13: {  	[sflag:s10] =	ssyncadd.s32 $0xFFFFD880  }
0x14: {  	[tilespmem:s11], [sflag:$0x2] =	stream.linear.gather [hbm4b:s7+s4], $0x2780, $0x38;
	[tilespmem:$0x1CC00] =	vst v63  }
0x15: {  	_ =	swait.ge [sflag:s10], $0x2780  }
0x16: {  	[sflag:s10] =	ssyncset.done $0x0  }
0x17: {  	[sflag:s10] =	ssyncadd.s32 $0xFFFFD880  }
0x18: {  	[spmem:s13], [sflag:s12] =	dma.local [hbm:s5], $0x2780  }
0x19: {  	_ =	swait.ge [sflag:s10], $0x2780  }
0x1a: {  	[sflag:s10] =	ssyncset.done $0x0  }
0x1b: {  	[sflag:s10] =	ssyncadd.s32 $0xFFFFD880  }
0x1c: {  	s18 =	simm.s32 $0x0;
	[bflag:$0x0] =	sbarrier.arrive $0xFFFF  }
0x1d: {  	[tilespmem:s15], [sflag:$0x1] =	stream.indirect.gather [hbm4b:s1+s14], $0x80, s18, s14, $0xb8;
	[tilespmem:$0x1CC00] =	vst v63  }
0x1e: {  	_ =	swait.ge [sflag:s16], $0x4000  }
0x1f: {  	[sflag:s16] =	ssyncset.done $0x0  }
0x20: {  	s31 =	simm.s32 $0x2800;
	[sflag:s16] =	ssyncadd.s32 $0xFFFFC000  }
0x21: {  	[spmem:s3] =	stream.indirect.scatter.add.f32 [tilespmem:s15], [sflag:$0x2], $0x80, s31, s14, $0xb8;
	[tilespmem:$0x1CC00] =	vst v63  }
0x22: {  	_ =	swait.ge [sflag:s10], $0x4000  }
0x23: {  	s19 =	simm.s32 $0x400;
	s18 =	simm.s32 $0x200;
	[sflag:s10] =	ssyncset.done $0x0  }
.LBB2_2:
0x24: {  	s20 =	sshra.s32 s18, $0x2  }
0x25: {  	[sflag:s10] =	ssyncadd.s32 $0xFFFFC000;
	s18 =	smov.u32 s19;
	s21 =	sadd.s32 $0x200, s19  }
0x26: {  	[tilespmem:s15], [sflag:$0x1] =	stream.indirect.gather [hbm4b:s1+s14], $0x80, s20, s14, $0xb8;
	[tilespmem:$0x1CC00] =	vst v63  }
0x27: {  	p0 =	sne.s32 s19, $0x9C00;
	_ =	swait.ge [sflag:s16], $0x4000  }
.Ltmp0:
0x28: {  	[sflag:s16] =	ssyncset.done $0x0;
	(pc) =	sbr.rel @p0 .LBB2_2-.Ltmp0, $4  }
0x29: {  	s19 =	sadd.s32 $0x2800, s20;
	[sflag:s16] =	ssyncadd.s32 $0xFFFFC000  }
0x2a: {  	[spmem:s3] =	stream.indirect.scatter.add.f32 [tilespmem:s15], [sflag:$0x2], $0x80, s19, s14, $0xb8;
	[tilespmem:$0x1CC00] =	vst v63  }
0x2b: {  	_ =	swait.ge [sflag:s10], $0x4000  }
0x2c: {  	s19 =	smov.u32 s21;
	[sflag:s10] =	ssyncset.done $0x0  }
0x2d: {  	s18 =	sshra.s32 s18, $0x2;
	[sflag:s10] =	ssyncadd.s32 $0xFFFFC000  }
0x2e: {  	[tilespmem:s15], [sflag:$0x1] =	stream.indirect.gather [hbm4b:s1+s14], $0x80, s18, s14, $0xb8;
	[tilespmem:$0x1CC00] =	vst v63  }
0x2f: {  	_ =	swait.ge [sflag:s16], $0x4000  }
0x30: {  	[sflag:s16] =	ssyncset.done $0x0  }
0x31: {  	s18 =	sadd.s32 $0x2800, s18;
	[sflag:s16] =	ssyncadd.s32 $0xFFFFC000  }
0x32: {  	[spmem:s3] =	stream.indirect.scatter.add.f32 [tilespmem:s15], [sflag:$0x2], $0x80, s18, s14, $0xb8;
	[tilespmem:$0x1CC00] =	vst v63  }
0x33: {  	_ =	swait.ge [sflag:s10], $0x4000  }
0x34: {  	s17 =	sadd.s32 $0x1, s17;
	[sflag:s10] =	ssyncset.done $0x0  }
0x35: {  	p0 =	sne.s32 s17, s9;
	[sflag:s10] =	ssyncadd.s32 $0xFFFFC000  }
.Ltmp1:
0x36: {  	[bflag:$0x0] =	sbarrier.arrive $0xFFFF;
	(pc) =	sbr.rel @p0 .LBB2_1-.Ltmp1, $4  }
0x37: {  	[hbm:s8], [sflag:s12] =	dma.local [spmem:s13], $0x2780  }
0x38: {  	_ =	swait.ge [sflag:s10], $0x2780  }
0x39: {  	[sflag:s10] =	ssyncset.done $0x0  }
0x3a: {  	[sflag:s10] =	ssyncadd.s32 $0xFFFFD880  }
0x3b: {  	_ =	sfence.sel $0x180000  }
0x3c: {  	[bflag:$0x0] =	sbarrier.arrive $0xFFFF  }
0x3d: {  	p0 =	sne.s32 s0, $0x0;
	_ =	strace $0x90000047  }
0x3e: {  	s0 =	sadd.s32 @!p0 $0x100000, s2;
	[bflag:$0x2] =	sbarrier.arrive $0xFFFF  }
0x3f: {  	[sflag:s0] =	ssyncadd.tile.s32 @!p0 $0x1;
	_ =	shalt  }
.Lfunc_end2:
_tile_overlayer_lowered:
.L_overlay_start_2:
0x40: {  	(tag) =	ssettag $0x2  }
0x41: {  	s0 =	rddreg [dreg:$0x0];
	s2 =	stileid.u32  }
0x42: {  	s1 =	rddreg [dreg:$0x1];
	p0 =	sne.s32 s2, $0x0  }
0x43: {  	s3 =	rddreg [dreg:$0x2];
	[bflag:$0x3] =	sbarrier.arrive $0xFFFF;
	s2 =	simm.s32 @!p0 $0x1C02  }
0x44: {  	[timem:s3], [sflag:s2] =	dma.local @!p0 [hbm:s0], s1  }
0x45: {  	s0 =	simm.s32 @!p0 $0x2  }
0x46: {  	_ =	swait.ge @!p0 [sflag:s0], s1  }
0x47: {  	s1 =	ssub.s32 @!p0 $0x0, s1;
	[sflag:s0] =	ssyncset.done @!p0 $0x0  }
0x48: {  	[sflag:s0] =	ssyncadd.s32 @!p0 s1  }
0x49: {  	[bflag:$0x3] =	sbarrier.arrive $0xFFFF  }
0x4a: {  	_ =	shalt  }

</sc_bundles>
